<compile_context>
chip_gen: v7x
topology: tpu7x:2x2x1
jax: 0.10.2.dev20260603
libtpu: 0.0.44.dev20260713+nightly
codegen_flags: <defaults>
</compile_context>

<pallas_src>
import functools
import math

import jax
import jax.numpy as jnp
from jax import lax
from jax.experimental import pallas as pl
from jax.experimental.pallas import tpu as pltpu
from jax.experimental.pallas import tpu_sc as plsc

B, C, D = 1024, 100000, 64
HARD_NEG_K = 5
TAU_MIN, TAU_MAX = math.log(0.01), math.log(1.0)
BLK = 4096
NBLK = (C + BLK - 1) // BLK
NEG_INF = float("-inf")
PAD_AUG = 60.0


def _sc_gather_build():
    info = plsc.get_sparse_core_info()
    nw = info.num_cores * info.num_subcores
    b_per_w = B // nw
    mesh = plsc.VectorSubcoreMesh(core_axis_name="c", subcore_axis_name="s")

    @functools.partial(
        pl.kernel,
        mesh=mesh,
        out_type=jax.ShapeDtypeStruct((B,), jnp.float32),
        scratch_types=[
            pltpu.VMEM((b_per_w,), jnp.int32),
            pltpu.VMEM((b_per_w,), jnp.float32),
            pltpu.SemaphoreType.DMA,
        ],
    )
    def gather_kernel(table_hbm, idx_hbm, out_hbm, idx_v, vals_v, sem):
        wid = lax.axis_index("s") * info.num_cores + lax.axis_index("c")
        base = wid * b_per_w
        pltpu.sync_copy(idx_hbm.at[pl.ds(base, b_per_w)], idx_v)
        pltpu.async_copy(table_hbm.at[idx_v], vals_v, sem).wait()
        pltpu.sync_copy(vals_v, out_hbm.at[pl.ds(base, b_per_w)])

    return gather_kernel


def _tc_body(feats_ref, labels_ref, lt_ref, protos_ref, out_ref,
             s_ref, top_ref, corr_ref, fn_ref):
    k = pl.program_id(0)

    @pl.when(k == 0)
    def _init():
        s_ref[...] = jnp.zeros((B, 1), dtype=jnp.float32)
        top_ref[...] = jnp.full((B, 8), NEG_INF, dtype=jnp.float32)
        corr_ref[...] = jnp.zeros((B, 1), dtype=jnp.float32)
        f = feats_ref[...]
        fn = f / jnp.maximum(
            jnp.sqrt(jnp.sum(f * f, axis=1, keepdims=True)), 1e-12)
        tau = jnp.exp(jnp.clip(lt_ref[...], TAU_MIN, TAU_MAX))
        rtau = 1.0 / tau
        fn_ref[...] = jnp.concatenate([fn * rtau, -rtau], axis=1)

    fa = fn_ref[...]
    p = protos_ref[...]
    pn = p * (1.0 / jnp.maximum(
        jnp.sqrt(jnp.sum(p * p, axis=1, keepdims=True)), 1e-12))
    rowid = k * BLK + lax.broadcasted_iota(jnp.int32, (BLK, 1), 0)
    vrow = rowid < C
    pa = jnp.concatenate([jnp.where(vrow, pn, 0.0),
                          jnp.where(vrow, 1.0, PAD_AUG)],
                         axis=1)
    y = lax.dot_general(fa, pa, (((1,), (1,)), ((), ())),
                        preferred_element_type=jnp.float32)

    col = k * BLK + lax.broadcasted_iota(jnp.int32, (1, BLK), 1)
    lab = labels_ref[...]
    is_lab = lab == col

    cy = jnp.sum(jnp.where(is_lab, y, 0.0), axis=1, keepdims=True)
    corr_ref[...] += cy

    s_ref[...] += jnp.sum(jnp.exp(y), axis=1, keepdims=True)

    candb = jnp.where(is_lab, jnp.bfloat16(NEG_INF), y.astype(jnp.bfloat16))
    mxb = jnp.max(candb, axis=1, keepdims=True)
    bvals = [mxb.astype(jnp.float32)]
    for _ in range(HARD_NEG_K - 1):
        candb = jnp.where(candb >= mxb, jnp.bfloat16(NEG_INF), candb)
        mxb = jnp.max(candb, axis=1, keepdims=True)
        bvals.append(mxb.astype(jnp.float32))

    a = [top_ref[:, j:j + 1] for j in range(HARD_NEG_K)]
    pos_inf = jnp.full((B, 1), float("inf"), dtype=jnp.float32)
    a = [pos_inf] + a
    b = [pos_inf] + bvals
    ninf = jnp.full((B, 1), NEG_INF, dtype=jnp.float32)

    def pick(lst, i):
        return lst[i] if i < len(lst) else ninf

    new_top = []
    for j in range(HARD_NEG_K):
        terms = []
        for i in range(j + 2):
            terms.append(jnp.minimum(pick(a, i), pick(b, j + 1 - i)))
        cj = terms[0]
        for t in terms[1:]:
            cj = jnp.maximum(cj, t)
        new_top.append(cj)
    top_ref[...] = jnp.concatenate(new_top + [ninf, ninf, ninf], axis=1)

    @pl.when(k == NBLK - 1)
    def _fin():
        shift = -fn_ref[:, D:D + 1]
        logz = jnp.log(s_ref[...]) + shift
        corr = corr_ref[...] + shift
        t = top_ref[...]
        hard = (t[:, 0:1] + t[:, 1:2] + t[:, 2:3] + t[:, 3:4]
                + t[:, 4:5]) / 5.0 + shift
        hmax = jnp.max(hard, axis=0, keepdims=True)
        e = jnp.exp(hard - hmax)
        w = jnp.minimum(e / jnp.sum(e, axis=0, keepdims=True) * B, 5.0)
        loss_per = logz - corr
        out_ref[...] = jnp.sum(loss_per * w, axis=0, keepdims=True) / B


def _tc_main(features, labels_col, lt_col, protos):
    return pl.pallas_call(
        _tc_body,
        grid=(NBLK,),
        in_specs=[
            pl.BlockSpec((B, D), lambda k: (0, 0)),
            pl.BlockSpec((B, 1), lambda k: (0, 0)),
            pl.BlockSpec((B, 1), lambda k: (0, 0)),
            pl.BlockSpec((BLK, D), lambda k: (k, 0)),
        ],
        out_specs=pl.BlockSpec((1, 1), lambda k: (0, 0)),
        out_shape=jax.ShapeDtypeStruct((1, 1), jnp.float32),
        scratch_shapes=[
            pltpu.VMEM((B, 1), jnp.float32),
            pltpu.VMEM((B, 8), jnp.float32),
            pltpu.VMEM((B, 1), jnp.float32),
            pltpu.VMEM((B, D + 1), jnp.float32),
        ],
    )(features, labels_col, lt_col, protos)


def kernel(features, labels, shadow_prototypes, log_tau):
    labels_i32 = labels.astype(jnp.int32)
    lt_g = _sc_gather_build()(log_tau, labels_i32)
    out = _tc_main(features.astype(jnp.float32),
                   labels_i32.reshape(B, 1),
                   lt_g.reshape(B, 1),
                   shadow_prototypes.astype(jnp.float32))
    return out[0, 0]

# --- scband reference (transcript-rebuilt; emitter-appended) ---
"""Pipeline reference for scband-enhanced-prototype-memory-44100724195854 (READ-ONLY COPY).

The authoritative reference and input builder live on the scoring server;
editing this copy changes nothing except your own understanding.
"""

import math
import jax, jax.numpy as jnp
import numpy as np

B, C, D = 1024, 100000, 64
HARD_NEG_K = 5
TAU_MIN, TAU_MAX = math.log(0.01), math.log(1.0)


def _normalize(x):
    n = jnp.linalg.norm(x, axis=-1, keepdims=True)
    return x / jnp.clip(n, 1e-12)


def setup_inputs(seed: int = 0) -> dict:
    key = jax.random.key(seed)
    k1, k2, k3 = jax.random.split(key, 3)
    features = jax.random.normal(k1, (B, D), dtype=jnp.float32)
    labels = jax.random.randint(k2, (B,), 0, C, dtype=jnp.int64)
    # learned / buffer state: shadow prototypes (dual-proto path, all classes initialized,
    # step >= warmup so the loss path is active) and adaptive per-class log temperature
    shadow_prototypes = jax.random.normal(k3, (C, D), dtype=jnp.float32)
    log_tau = jnp.full((C,), math.log(0.1), dtype=jnp.float32)
    return {"features": features, "labels": labels,
            "shadow_prototypes": shadow_prototypes, "log_tau": log_tau}


def reference(features, labels, shadow_prototypes, log_tau):
    # loss() path of EnhancedPrototypeMemory with all prototypes initialized,
    # step >= warmup_steps, use_dual_proto=True (proto_mat fully replaced by shadow),
    # use_freq_weight=use_quality_weight=use_repulsion=False, use_adaptive_temp=True.
    feats_norm = _normalize(features.astype(jnp.float32))
    protos_norm = _normalize(shadow_prototypes.astype(jnp.float32))
    lt = jnp.clip(log_tau, TAU_MIN, TAU_MAX)
    tau_per_sample = jnp.exp(jnp.take(lt, labels, axis=0))
    raw_logits = feats_norm @ protos_norm.T
    logits = raw_logits / tau_per_sample[:, None]
    # per-sample cross entropy
    logz = jax.nn.logsumexp(logits, axis=1)
    correct = jnp.take_along_axis(logits, labels[:, None], axis=1)[:, 0]
    loss_per = logz - correct
    # hard negative weights (computed under no_grad in torch)
    k = min(HARD_NEG_K, C - 1)
    neg_logits = logits.at[jnp.arange(logits.shape[0]), labels].set(-jnp.inf)
    top_neg, _ = jax.lax.top_k(neg_logits, k)
    hard_score = jnp.mean(top_neg, axis=1)
    w = jax.nn.softmax(hard_score, axis=0) * float(logits.shape[0])
    w = jnp.minimum(jax.lax.stop_gradient(w), 5.0)
    return jnp.mean(loss_per * w)

if __name__ == "__main__":
    import jax
    _d = setup_inputs()
    print(jax.jit(kernel)(*tuple(_d.values())))

</pallas_src>

<mosaic_0001>
#map = affine_map<(d0, d1) -> (0)>
module attributes {stable_mosaic.version = 14 : i64} {
  func.func @gather_kernel(%arg0: i32, %arg1: i32, %arg2: memref<100000xf32, #tpu.memory_space<hbm>>, %arg3: memref<1024xi32, #tpu.memory_space<hbm>>, %arg4: memref<1024xf32, #tpu.memory_space<hbm>>, %arg5: memref<32xi32, #tpu.memory_space<vmem>>, %arg6: memref<32xf32, #tpu.memory_space<vmem>>, %arg7: memref<!tpu.dma_semaphore, #tpu.memory_space<semaphore_mem>>) attributes {dimension_semantics = [#tpu.dimension_semantics<core_parallel>, #tpu.dimension_semantics<subcore_parallel>], iteration_bounds = array<i64: 2, 16>, scalar_prefetch = 0 : i64, scratch_operands = 3 : i64, tpu.core_type = #tpu.core_type<sc_vector_subcore>, window_params = [{transform_indices = #map}, {transform_indices = #map}, {transform_indices = #map}]} {
    %mul3A = arith.constant 2 : i32
    %mul3A_0 = arith.muli %arg1, %mul3A : i32
    %add3A = arith.addi %mul3A_0, %arg0 : i32
    %mul3A_1 = arith.constant 32 : i32
    %mul3A_2 = arith.muli %add3A, %mul3A_1 : i32
    "tpu.region"() ({
      %run_scoped3A = tpu.sem_alloc : memref<!tpu.dma_semaphore, #tpu.memory_space<semaphore_mem>>
      %dma_start3A_5 = tpu.memref_slice %arg3[%mul3A_2] : memref<1024xi32, #tpu.memory_space<hbm>> -> memref<32xi32, #tpu.memory_space<hbm>>
      %dma_start3A_6 = tpu.memref_slice %arg3[%mul3A_2] : memref<1024xi32, #tpu.memory_space<hbm>> -> memref<32xi32, #tpu.memory_space<hbm>>
      tpu.enqueue_dma source(%dma_start3A_6 : memref<32xi32, #tpu.memory_space<hbm>>) target(%arg5 : memref<32xi32, #tpu.memory_space<vmem>>) target_semaphore(%run_scoped3A : memref<!tpu.dma_semaphore, #tpu.memory_space<semaphore_mem>>)
      %dma_wait3A_7 = tpu.memref_slice %arg3[%mul3A_2] : memref<1024xi32, #tpu.memory_space<hbm>> -> memref<32xi32, #tpu.memory_space<hbm>>
      %dma_wait3A_8 = tpu.memref_slice %arg3[%mul3A_2] : memref<1024xi32, #tpu.memory_space<hbm>> -> memref<32xi32, #tpu.memory_space<hbm>>
      tpu.wait_dma2 semaphore(%run_scoped3A : memref<!tpu.dma_semaphore, #tpu.memory_space<semaphore_mem>>) src(%dma_wait3A_8 : memref<32xi32, #tpu.memory_space<hbm>>) dst(%arg5 : memref<32xi32, #tpu.memory_space<vmem>>)
      tpu.yield
    }) : () -> ()
    %dma_start3A = arith.constant 0 : i32
    %dma_start3A_3 = tpu.memref_slice %arg2[%dma_start3A] : memref<100000xf32, #tpu.memory_space<hbm>> -> memref<100000xf32, #tpu.memory_space<hbm>>
    tpu.enqueue_indirect_dma source(%dma_start3A_3 : memref<100000xf32, #tpu.memory_space<hbm>>) target(%arg6 : memref<32xf32, #tpu.memory_space<vmem>>) offsets(%arg5 : memref<32xi32, #tpu.memory_space<vmem>>) semaphore(%arg7 : memref<!tpu.dma_semaphore, #tpu.memory_space<semaphore_mem>>)
    %dma_wait3A = arith.constant 0 : i32
    %dma_wait3A_4 = tpu.memref_slice %arg2[%dma_wait3A] : memref<100000xf32, #tpu.memory_space<hbm>> -> memref<100000xf32, #tpu.memory_space<hbm>>
    tpu.wait_indirect_dma semaphore(%arg7 : memref<!tpu.dma_semaphore, #tpu.memory_space<semaphore_mem>>) src(%dma_wait3A_4 : memref<100000xf32, #tpu.memory_space<hbm>>) dst(%arg6 : memref<32xf32, #tpu.memory_space<vmem>>)
    "tpu.region"() ({
      %run_scoped3A = tpu.sem_alloc : memref<!tpu.dma_semaphore, #tpu.memory_space<semaphore_mem>>
      %dma_start3A_5 = tpu.memref_slice %arg4[%mul3A_2] : memref<1024xf32, #tpu.memory_space<hbm>> -> memref<32xf32, #tpu.memory_space<hbm>>
      %dma_start3A_6 = tpu.memref_slice %arg4[%mul3A_2] : memref<1024xf32, #tpu.memory_space<hbm>> -> memref<32xf32, #tpu.memory_space<hbm>>
      tpu.enqueue_dma source(%arg6 : memref<32xf32, #tpu.memory_space<vmem>>) target(%dma_start3A_6 : memref<32xf32, #tpu.memory_space<hbm>>) target_semaphore(%run_scoped3A : memref<!tpu.dma_semaphore, #tpu.memory_space<semaphore_mem>>)
      %dma_wait3A_7 = tpu.memref_slice %arg4[%mul3A_2] : memref<1024xf32, #tpu.memory_space<hbm>> -> memref<32xf32, #tpu.memory_space<hbm>>
      %dma_wait3A_8 = tpu.memref_slice %arg4[%mul3A_2] : memref<1024xf32, #tpu.memory_space<hbm>> -> memref<32xf32, #tpu.memory_space<hbm>>
      tpu.wait_dma2 semaphore(%run_scoped3A : memref<!tpu.dma_semaphore, #tpu.memory_space<semaphore_mem>>) src(%arg6 : memref<32xf32, #tpu.memory_space<vmem>>) dst(%dma_wait3A_8 : memref<32xf32, #tpu.memory_space<hbm>>)
      tpu.yield
    }) : () -> ()
    return
  }
}

module attributes {stable_mosaic.version = 14 : i64} {
  func.func @_tc_body(%arg0: i32, %arg1: memref<1024x64xf32, #tpu.memory_space<vmem>>, %arg2: memref<1024x1xi32, #tpu.memory_space<vmem>>, %arg3: memref<1024x1xf32, #tpu.memory_space<vmem>>, %arg4: memref<4096x64xf32, #tpu.memory_space<vmem>>, %arg5: memref<1x1xf32, #tpu.memory_space<vmem>>, %arg6: memref<1024x1xf32, #tpu.memory_space<vmem>>, %arg7: memref<1024x8xf32, #tpu.memory_space<vmem>>, %arg8: memref<1024x1xf32, #tpu.memory_space<vmem>>, %arg9: memref<1024x65xf32, #tpu.memory_space<vmem>>) attributes {dimension_semantics = [#tpu.dimension_semantics<arbitrary>], iteration_bounds = array<i64: 25>, scalar_prefetch = 0 : i64, scratch_operands = 4 : i64, tpu.core_type = #tpu.core_type<tc>, window_params = [{pipeline_mode = #tpu.pipeline_mode<synchronous>, transform_indices = @transform_0, window_bounds = array<i64: 1024, 64>}, {pipeline_mode = #tpu.pipeline_mode<synchronous>, transform_indices = @transform_1, window_bounds = array<i64: 1024, 1>}, {pipeline_mode = #tpu.pipeline_mode<synchronous>, transform_indices = @transform_2, window_bounds = array<i64: 1024, 1>}, {transform_indices = @transform_3, window_bounds = array<i64: 4096, 64>}, {pipeline_mode = #tpu.pipeline_mode<synchronous>, transform_indices = @transform_4, window_bounds = array<i64: 1, 1>}]} {
    %eq3A = arith.constant 0 : i32
    %eq3A_0 = arith.cmpi eq, %arg0, %eq3A : i32
    %convert_element_type3A = arith.extui %eq3A_0 : i1 to i32
    %cond3A = arith.constant 0 : i32
    %cond3A_1 = arith.cmpi ne, %convert_element_type3A, %cond3A : i32
    scf.if %cond3A_1 {
      %broadcast_in_dim3A_165 = arith.constant 0.000000e+00 : f32
      %broadcast_in_dim3A_166 = vector.broadcast %broadcast_in_dim3A_165 : f32 to vector<1024x1xf32>
      %swap3A_167 = arith.constant 0 : index
      %swap3A_168 = arith.constant 0 : index
      %swap3A_169 = vector.load %arg6[%swap3A_167, %swap3A_168] : memref<1024x1xf32, #tpu.memory_space<vmem>>, vector<1024x1xf32>
      tpu.vector_store %arg6[%swap3A_167, %swap3A_168], %broadcast_in_dim3A_166 {strides = array<i32>} : memref<1024x1xf32, #tpu.memory_space<vmem>>, vector<1024x1xf32>,
      %broadcast_in_dim3A_170 = arith.constant 0xFF800000 : f32
      %broadcast_in_dim3A_171 = vector.broadcast %broadcast_in_dim3A_170 : f32 to vector<1024x8xf32>
      %swap3A_172 = arith.constant 0 : index
      %swap3A_173 = arith.constant 0 : index
      %swap3A_174 = vector.load %arg7[%swap3A_172, %swap3A_173] : memref<1024x8xf32, #tpu.memory_space<vmem>>, vector<1024x8xf32>
      tpu.vector_store %arg7[%swap3A_172, %swap3A_173], %broadcast_in_dim3A_171 {strides = array<i32>} : memref<1024x8xf32, #tpu.memory_space<vmem>>, vector<1024x8xf32>,
      %broadcast_in_dim3A_175 = arith.constant 0.000000e+00 : f32
      %broadcast_in_dim3A_176 = vector.broadcast %broadcast_in_dim3A_175 : f32 to vector<1024x1xf32>
      %swap3A_177 = arith.constant 0 : index
      %swap3A_178 = arith.constant 0 : index
      %swap3A_179 = vector.load %arg8[%swap3A_177, %swap3A_178] : memref<1024x1xf32, #tpu.memory_space<vmem>>, vector<1024x1xf32>
      tpu.vector_store %arg8[%swap3A_177, %swap3A_178], %broadcast_in_dim3A_176 {strides = array<i32>} : memref<1024x1xf32, #tpu.memory_space<vmem>>, vector<1024x1xf32>,
      %get3A_180 = arith.constant 0 : index
      %get3A_181 = arith.constant 0 : index
      %get3A_182 = vector.load %arg1[%get3A_180, %get3A_181] : memref<1024x64xf32, #tpu.memory_space<vmem>>, vector<1024x64xf32>
      %mul3A_183 = arith.mulf %get3A_182, %get3A_182 : vector<1024x64xf32>
      %reduce_sum3A_184 = arith.constant dense<0.000000e+00> : vector<1024xf32>
      %reduce_sum3A_185 = vector.multi_reduction <add>, %mul3A_183, %reduce_sum3A_184 [1] : vector<1024x64xf32> to vector<1024xf32>
      %broadcast_in_dim3A_186 = vector.shape_cast %reduce_sum3A_185 : vector<1024xf32> to vector<1024x1xf32>
      %sqrt3A_187 = math.sqrt %broadcast_in_dim3A_186 : vector<1024x1xf32>
      %max3A_188 = arith.constant 9.99999996E-13 : f32
      %max3A_189 = vector.broadcast %max3A_188 : f32 to vector<1024x1xf32>
      %max3A_190 = arith.maximumf %sqrt3A_187, %max3A_189 : vector<1024x1xf32>
      %div3A_191 = vector.broadcast %max3A_190 : vector<1024x1xf32> to vector<1024x64xf32>
      %div3A_192 = arith.divf %get3A_182, %div3A_191 : vector<1024x64xf32>
      %get3A_193 = arith.constant 0 : index
      %get3A_194 = arith.constant 0 : index
      %get3A_195 = vector.load %arg3[%get3A_193, %get3A_194] : memref<1024x1xf32, #tpu.memory_space<vmem>>, vector<1024x1xf32>
      %jit3A_196 = arith.constant -4.60517025 : f32
      %jit3A_197 = arith.constant 0.000000e+00 : f32
      %max3A_198 = vector.broadcast %jit3A_196 : f32 to vector<1024x1xf32>
      %max3A_199 = arith.maximumf %max3A_198, %get3A_195 : vector<1024x1xf32>
      %min3A_200 = vector.broadcast %jit3A_197 : f32 to vector<1024x1xf32>
      %min3A_201 = arith.minimumf %min3A_200, %max3A_199 : vector<1024x1xf32>
      %exp3A_202 = math.exp %min3A_201 : vector<1024x1xf32>
      %div3A_203 = arith.constant 1.000000e+00 : f32
      %div3A_204 = vector.broadcast %div3A_203 : f32 to vector<1024x1xf32>
      %div3A_205 = arith.divf %div3A_204, %exp3A_202 : vector<1024x1xf32>
      %mul3A_206 = vector.broadcast %div3A_205 : vector<1024x1xf32> to vector<1024x64xf32>
      %mul3A_207 = arith.mulf %div3A_192, %mul3A_206 : vector<1024x64xf32>
      %neg3A = arith.constant 0.000000e+00 : f32
      %neg3A_208 = vector.broadcast %neg3A : f32 to vector<1024x1xf32>
      %neg3A_209 = arith.subf %neg3A_208, %div3A_205 : vector<1024x1xf32>
      %concatenate3A_210 = tpu.concatenate %mul3A_207, %neg3A_209 in 1 : vector<1024x64xf32>, vector<1024x1xf32> -> vector<1024x65xf32>
      %swap3A_211 = arith.constant 0 : index
      %swap3A_212 = arith.constant 0 : index
      %swap3A_213 = vector.load %arg9[%swap3A_211, %swap3A_212] : memref<1024x65xf32, #tpu.memory_space<vmem>>, vector<1024x65xf32>
      tpu.vector_store %arg9[%swap3A_211, %swap3A_212], %concatenate3A_210 {strides = array<i32>} : memref<1024x65xf32, #tpu.memory_space<vmem>>, vector<1024x65xf32>,
    } else {
    }
    %get3A = arith.constant 0 : index
    %get3A_2 = arith.constant 0 : index
    %get3A_3 = vector.load %arg9[%get3A, %get3A_2] : memref<1024x65xf32, #tpu.memory_space<vmem>>, vector<1024x65xf32>
    %get3A_4 = arith.constant 0 : index
    %get3A_5 = arith.constant 0 : index
    %get3A_6 = vector.load %arg4[%get3A_4, %get3A_5] : memref<4096x64xf32, #tpu.memory_space<vmem>>, vector<4096x64xf32>
    %mul3A = arith.mulf %get3A_6, %get3A_6 : vector<4096x64xf32>
    %reduce_sum3A = arith.constant dense<0.000000e+00> : vector<4096xf32>
    %reduce_sum3A_7 = vector.multi_reduction <add>, %mul3A, %reduce_sum3A [1] : vector<4096x64xf32> to vector<4096xf32>
    %broadcast_in_dim3A = vector.shape_cast %reduce_sum3A_7 : vector<4096xf32> to vector<4096x1xf32>
    %sqrt3A = math.sqrt %broadcast_in_dim3A : vector<4096x1xf32>
    %max3A = arith.constant 9.99999996E-13 : f32
    %max3A_8 = vector.broadcast %max3A : f32 to vector<4096x1xf32>
    %max3A_9 = arith.maximumf %sqrt3A, %max3A_8 : vector<4096x1xf32>
    %div3A = arith.constant 1.000000e+00 : f32
    %div3A_10 = vector.broadcast %div3A : f32 to vector<4096x1xf32>
    %div3A_11 = arith.divf %div3A_10, %max3A_9 : vector<4096x1xf32>
    %mul3A_12 = vector.broadcast %div3A_11 : vector<4096x1xf32> to vector<4096x64xf32>
    %mul3A_13 = arith.mulf %get3A_6, %mul3A_12 : vector<4096x64xf32>
    %mul3A_14 = arith.constant 4096 : i32
    %mul3A_15 = arith.muli %arg0, %mul3A_14 : i32
    %iota3A = tpu.iota {dimensions = array<i32: 0>} : vector<4096x1xi32>
    %add3A = vector.broadcast %mul3A_15 : i32 to vector<4096x1xi32>
    %add3A_16 = arith.addi %add3A, %iota3A : vector<4096x1xi32>
    %lt3A = arith.constant 100000 : i32
    %lt3A_17 = vector.broadcast %lt3A : i32 to vector<4096x1xi32>
    %lt3A_18 = arith.cmpi slt, %add3A_16, %lt3A_17 : vector<4096x1xi32>
    %jit3A = arith.constant 0.000000e+00 : f32
    %broadcast_in_dim3A_19 = vector.shape_cast %lt3A_18 : vector<4096x1xi1> to vector<4096x1xi1>
    %broadcast_in_dim3A_20 = vector.broadcast %broadcast_in_dim3A_19 : vector<4096x1xi1> to vector<4096x64xi1>
    %broadcast_in_dim3A_21 = vector.broadcast %jit3A : f32 to vector<4096x64xf32>
    %select_n3A = arith.select %broadcast_in_dim3A_20, %mul3A_13, %broadcast_in_dim3A_21 : vector<4096x64xi1>, vector<4096x64xf32>
    %jit3A_22 = arith.constant 1.000000e+00 : f32
    %jit3A_23 = arith.constant 6.000000e+01 : f32
    %broadcast_in_dim3A_24 = vector.broadcast %jit3A_22 : f32 to vector<4096x1xf32>
    %broadcast_in_dim3A_25 = vector.broadcast %jit3A_23 : f32 to vector<4096x1xf32>
    %select_n3A_26 = arith.select %lt3A_18, %broadcast_in_dim3A_24, %broadcast_in_dim3A_25 : vector<4096x1xi1>, vector<4096x1xf32>
    %concatenate3A = tpu.concatenate %select_n3A, %select_n3A_26 in 1 : vector<4096x64xf32>, vector<4096x1xf32> -> vector<4096x65xf32>
    %dot_general3A = arith.constant dense<0.000000e+00> : vector<1024x4096xf32>
    %dot_general3A_27 = tpu.matmul %get3A_3, %concatenate3A, %dot_general3A {dimension_numbers = #tpu.dot_dimension_numbers<[1], [1], [0], [0], [0, 0, 1, 0], [], []>, transpose_lhs_hint = false} : vector<1024x65xf32>, vector<4096x65xf32>, vector<1024x4096xf32> -> vector<1024x4096xf32>
    %mul3A_28 = arith.constant 4096 : i32
    %mul3A_29 = arith.muli %arg0, %mul3A_28 : i32
    %iota3A_30 = tpu.iota {dimensions = array<i32: 1>} : vector<1x4096xi32>
    %add3A_31 = vector.broadcast %mul3A_29 : i32 to vector<1x4096xi32>
    %add3A_32 = arith.addi %add3A_31, %iota3A_30 : vector<1x4096xi32>
    %get3A_33 = arith.constant 0 : index
    %get3A_34 = arith.constant 0 : index
    %get3A_35 = vector.load %arg2[%get3A_33, %get3A_34] : memref<1024x1xi32, #tpu.memory_space<vmem>>, vector<1024x1xi32>
    %eq3A_36 = vector.broadcast %get3A_35 : vector<1024x1xi32> to vector<1024x4096xi32>
    %eq3A_37 = vector.broadcast %add3A_32 : vector<1x4096xi32> to vector<1024x4096xi32>
    %eq3A_38 = arith.cmpi eq, %eq3A_36, %eq3A_37 : vector<1024x4096xi32>
    %jit3A_39 = arith.constant 0.000000e+00 : f32
    %broadcast_in_dim3A_40 = vector.broadcast %jit3A_39 : f32 to vector<1024x4096xf32>
    %select_n3A_41 = arith.select %eq3A_38, %dot_general3A_27, %broadcast_in_dim3A_40 : vector<1024x4096xi1>, vector<1024x4096xf32>
    %reduce_sum3A_42 = arith.constant dense<0.000000e+00> : vector<1024xf32>
    %reduce_sum3A_43 = vector.multi_reduction <add>, %select_n3A_41, %reduce_sum3A_42 [1] : vector<1024x4096xf32> to vector<1024xf32>
    %broadcast_in_dim3A_44 = vector.shape_cast %reduce_sum3A_43 : vector<1024xf32> to vector<1024x1xf32>
    %get3A_45 = arith.constant 0 : index
    %get3A_46 = arith.constant 0 : index
    %get3A_47 = vector.load %arg8[%get3A_45, %get3A_46] : memref<1024x1xf32, #tpu.memory_space<vmem>>, vector<1024x1xf32>
    %add3A_48 = arith.addf %get3A_47, %broadcast_in_dim3A_44 : vector<1024x1xf32>
    %swap3A = arith.constant 0 : index
    %swap3A_49 = arith.constant 0 : index
    %swap3A_50 = vector.load %arg8[%swap3A, %swap3A_49] : memref<1024x1xf32, #tpu.memory_space<vmem>>, vector<1024x1xf32>
    tpu.vector_store %arg8[%swap3A, %swap3A_49], %add3A_48 {strides = array<i32>} : memref<1024x1xf32, #tpu.memory_space<vmem>>, vector<1024x1xf32>,
    %get3A_51 = arith.constant 0 : index
    %get3A_52 = arith.constant 0 : index
    %get3A_53 = vector.load %arg6[%get3A_51, %get3A_52] : memref<1024x1xf32, #tpu.memory_space<vmem>>, vector<1024x1xf32>
    %exp3A = math.exp %dot_general3A_27 : vector<1024x4096xf32>
    %reduce_sum3A_54 = arith.constant dense<0.000000e+00> : vector<1024xf32>
    %reduce_sum3A_55 = vector.multi_reduction <add>, %exp3A, %reduce_sum3A_54 [1] : vector<1024x4096xf32> to vector<1024xf32>
    %broadcast_in_dim3A_56 = vector.shape_cast %reduce_sum3A_55 : vector<1024xf32> to vector<1024x1xf32>
    %add3A_57 = arith.addf %get3A_53, %broadcast_in_dim3A_56 : vector<1024x1xf32>
    %swap3A_58 = arith.constant 0 : index
    %swap3A_59 = arith.constant 0 : index
    %swap3A_60 = vector.load %arg6[%swap3A_58, %swap3A_59] : memref<1024x1xf32, #tpu.memory_space<vmem>>, vector<1024x1xf32>
    tpu.vector_store %arg6[%swap3A_58, %swap3A_59], %add3A_57 {strides = array<i32>} : memref<1024x1xf32, #tpu.memory_space<vmem>>, vector<1024x1xf32>,
    %convert_element_type3A_61 = arith.truncf %dot_general3A_27 : vector<1024x4096xf32> to vector<1024x4096xbf16>
    %jit3A_62 = arith.constant 0xFF80 : bf16
    %broadcast_in_dim3A_63 = vector.broadcast %jit3A_62 : bf16 to vector<1024x4096xbf16>
    %select_n3A_64 = arith.select %eq3A_38, %broadcast_in_dim3A_63, %convert_element_type3A_61 : vector<1024x4096xi1>, vector<1024x4096xbf16>
    %reduce_max3A = arith.constant dense<0xFF80> : vector<1024xbf16>
    %reduce_max3A_65 = vector.multi_reduction <maximumf>, %select_n3A_64, %reduce_max3A [1] : vector<1024x4096xbf16> to vector<1024xbf16>
    %broadcast_in_dim3A_66 = vector.shape_cast %reduce_max3A_65 : vector<1024xbf16> to vector<1024x1xbf16>
    %convert_element_type3A_67 = arith.extf %broadcast_in_dim3A_66 : vector<1024x1xbf16> to vector<1024x1xf32>
    %ge3A = vector.broadcast %broadcast_in_dim3A_66 : vector<1024x1xbf16> to vector<1024x4096xbf16>
    %ge3A_68 = arith.cmpf oge, %select_n3A_64, %ge3A : vector<1024x4096xbf16>
    %jit3A_69 = arith.constant 0xFF80 : bf16
    %broadcast_in_dim3A_70 = vector.broadcast %jit3A_69 : bf16 to vector<1024x4096xbf16>
    %select_n3A_71 = arith.select %ge3A_68, %broadcast_in_dim3A_70, %select_n3A_64 : vector<1024x4096xi1>, vector<1024x4096xbf16>
    %reduce_max3A_72 = arith.constant dense<0xFF80> : vector<1024xbf16>
    %reduce_max3A_73 = vector.multi_reduction <maximumf>, %select_n3A_71, %reduce_max3A_72 [1] : vector<1024x4096xbf16> to vector<1024xbf16>
    %broadcast_in_dim3A_74 = vector.shape_cast %reduce_max3A_73 : vector<1024xbf16> to vector<1024x1xbf16>
    %convert_element_type3A_75 = arith.extf %broadcast_in_dim3A_74 : vector<1024x1xbf16> to vector<1024x1xf32>
    %ge3A_76 = vector.broadcast %broadcast_in_dim3A_74 : vector<1024x1xbf16> to vector<1024x4096xbf16>
    %ge3A_77 = arith.cmpf oge, %select_n3A_71, %ge3A_76 : vector<1024x4096xbf16>
    %jit3A_78 = arith.constant 0xFF80 : bf16
    %broadcast_in_dim3A_79 = vector.broadcast %jit3A_78 : bf16 to vector<1024x4096xbf16>
    %select_n3A_80 = arith.select %ge3A_77, %broadcast_in_dim3A_79, %select_n3A_71 : vector<1024x4096xi1>, vector<1024x4096xbf16>
    %reduce_max3A_81 = arith.constant dense<0xFF80> : vector<1024xbf16>
    %reduce_max3A_82 = vector.multi_reduction <maximumf>, %select_n3A_80, %reduce_max3A_81 [1] : vector<1024x4096xbf16> to vector<1024xbf16>
    %broadcast_in_dim3A_83 = vector.shape_cast %reduce_max3A_82 : vector<1024xbf16> to vector<1024x1xbf16>
    %convert_element_type3A_84 = arith.extf %broadcast_in_dim3A_83 : vector<1024x1xbf16> to vector<1024x1xf32>
    %ge3A_85 = vector.broadcast %broadcast_in_dim3A_83 : vector<1024x1xbf16> to vector<1024x4096xbf16>
    %ge3A_86 = arith.cmpf oge, %select_n3A_80, %ge3A_85 : vector<1024x4096xbf16>
    %jit3A_87 = arith.constant 0xFF80 : bf16
    %broadcast_in_dim3A_88 = vector.broadcast %jit3A_87 : bf16 to vector<1024x4096xbf16>
    %select_n3A_89 = arith.select %ge3A_86, %broadcast_in_dim3A_88, %select_n3A_80 : vector<1024x4096xi1>, vector<1024x4096xbf16>
    %reduce_max3A_90 = arith.constant dense<0xFF80> : vector<1024xbf16>
    %reduce_max3A_91 = vector.multi_reduction <maximumf>, %select_n3A_89, %reduce_max3A_90 [1] : vector<1024x4096xbf16> to vector<1024xbf16>
    %broadcast_in_dim3A_92 = vector.shape_cast %reduce_max3A_91 : vector<1024xbf16> to vector<1024x1xbf16>
    %convert_element_type3A_93 = arith.extf %broadcast_in_dim3A_92 : vector<1024x1xbf16> to vector<1024x1xf32>
    %ge3A_94 = vector.broadcast %broadcast_in_dim3A_92 : vector<1024x1xbf16> to vector<1024x4096xbf16>
    %ge3A_95 = arith.cmpf oge, %select_n3A_89, %ge3A_94 : vector<1024x4096xbf16>
    %jit3A_96 = arith.constant 0xFF80 : bf16
    %broadcast_in_dim3A_97 = vector.broadcast %jit3A_96 : bf16 to vector<1024x4096xbf16>
    %select_n3A_98 = arith.select %ge3A_95, %broadcast_in_dim3A_97, %select_n3A_89 : vector<1024x4096xi1>, vector<1024x4096xbf16>
    %reduce_max3A_99 = arith.constant dense<0xFF80> : vector<1024xbf16>
    %reduce_max3A_100 = vector.multi_reduction <maximumf>, %select_n3A_98, %reduce_max3A_99 [1] : vector<1024x4096xbf16> to vector<1024xbf16>
    %broadcast_in_dim3A_101 = vector.shape_cast %reduce_max3A_100 : vector<1024xbf16> to vector<1024x1xbf16>
    %convert_element_type3A_102 = arith.extf %broadcast_in_dim3A_101 : vector<1024x1xbf16> to vector<1024x1xf32>
    %get3A_103 = arith.constant 0 : index
    %get3A_104 = arith.constant 0 : index
    %get3A_105 = vector.load %arg7[%get3A_103, %get3A_104] : memref<1024x8xf32, #tpu.memory_space<vmem>>, vector<1024x1xf32>
    %get3A_106 = arith.constant 0 : index
    %get3A_107 = arith.constant 1 : index
    %get3A_108 = vector.load %arg7[%get3A_106, %get3A_107] : memref<1024x8xf32, #tpu.memory_space<vmem>>, vector<1024x1xf32>
    %get3A_109 = arith.constant 0 : index
    %get3A_110 = arith.constant 2 : index
    %get3A_111 = vector.load %arg7[%get3A_109, %get3A_110] : memref<1024x8xf32, #tpu.memory_space<vmem>>, vector<1024x1xf32>
    %get3A_112 = arith.constant 0 : index
    %get3A_113 = arith.constant 3 : index
    %get3A_114 = vector.load %arg7[%get3A_112, %get3A_113] : memref<1024x8xf32, #tpu.memory_space<vmem>>, vector<1024x1xf32>
    %get3A_115 = arith.constant 0 : index
    %get3A_116 = arith.constant 4 : index
    %get3A_117 = vector.load %arg7[%get3A_115, %get3A_116] : memref<1024x8xf32, #tpu.memory_space<vmem>>, vector<1024x1xf32>
    %broadcast_in_dim3A_118 = arith.constant 0x7F800000 : f32
    %broadcast_in_dim3A_119 = vector.broadcast %broadcast_in_dim3A_118 : f32 to vector<1024x1xf32>
    %broadcast_in_dim3A_120 = arith.constant 0xFF800000 : f32
    %broadcast_in_dim3A_121 = vector.broadcast %broadcast_in_dim3A_120 : f32 to vector<1024x1xf32>
    %min3A = arith.minimumf %broadcast_in_dim3A_119, %convert_element_type3A_67 : vector<1024x1xf32>
    %min3A_122 = arith.minimumf %get3A_105, %broadcast_in_dim3A_119 : vector<1024x1xf32>
    %max3A_123 = arith.maximumf %min3A, %min3A_122 : vector<1024x1xf32>
    %min3A_124 = arith.minimumf %broadcast_in_dim3A_119, %convert_element_type3A_75 : vector<1024x1xf32>
    %min3A_125 = arith.minimumf %get3A_105, %convert_element_type3A_67 : vector<1024x1xf32>
    %min3A_126 = arith.minimumf %get3A_108, %broadcast_in_dim3A_119 : vector<1024x1xf32>
    %max3A_127 = arith.maximumf %min3A_124, %min3A_125 : vector<1024x1xf32>
    %max3A_128 = arith.maximumf %max3A_127, %min3A_126 : vector<1024x1xf32>
    %min3A_129 = arith.minimumf %broadcast_in_dim3A_119, %convert_element_type3A_84 : vector<1024x1xf32>
    %min3A_130 = arith.minimumf %get3A_105, %convert_element_type3A_75 : vector<1024x1xf32>
    %min3A_131 = arith.minimumf %get3A_108, %convert_element_type3A_67 : vector<1024x1xf32>
    %min3A_132 = arith.minimumf %get3A_111, %broadcast_in_dim3A_119 : vector<1024x1xf32>
    %max3A_133 = arith.maximumf %min3A_129, %min3A_130 : vector<1024x1xf32>
    %max3A_134 = arith.maximumf %max3A_133, %min3A_131 : vector<1024x1xf32>
    %max3A_135 = arith.maximumf %max3A_134, %min3A_132 : vector<1024x1xf32>
    %min3A_136 = arith.minimumf %broadcast_in_dim3A_119, %convert_element_type3A_93 : vector<1024x1xf32>
    %min3A_137 = arith.minimumf %get3A_105, %convert_element_type3A_84 : vector<1024x1xf32>
    %min3A_138 = arith.minimumf %get3A_108, %convert_element_type3A_75 : vector<1024x1xf32>
    %min3A_139 = arith.minimumf %get3A_111, %convert_element_type3A_67 : vector<1024x1xf32>
    %min3A_140 = arith.minimumf %get3A_114, %broadcast_in_dim3A_119 : vector<1024x1xf32>
    %max3A_141 = arith.maximumf %min3A_136, %min3A_137 : vector<1024x1xf32>
    %max3A_142 = arith.maximumf %max3A_141, %min3A_138 : vector<1024x1xf32>
    %max3A_143 = arith.maximumf %max3A_142, %min3A_139 : vector<1024x1xf32>
    %max3A_144 = arith.maximumf %max3A_143, %min3A_140 : vector<1024x1xf32>
    %min3A_145 = arith.minimumf %broadcast_in_dim3A_119, %convert_element_type3A_102 : vector<1024x1xf32>
    %min3A_146 = arith.minimumf %get3A_105, %convert_element_type3A_93 : vector<1024x1xf32>
    %min3A_147 = arith.minimumf %get3A_108, %convert_element_type3A_84 : vector<1024x1xf32>
    %min3A_148 = arith.minimumf %get3A_111, %convert_element_type3A_75 : vector<1024x1xf32>
    %min3A_149 = arith.minimumf %get3A_114, %convert_element_type3A_67 : vector<1024x1xf32>
    %min3A_150 = arith.minimumf %get3A_117, %broadcast_in_dim3A_119 : vector<1024x1xf32>
    %max3A_151 = arith.maximumf %min3A_145, %min3A_146 : vector<1024x1xf32>
    %max3A_152 = arith.maximumf %max3A_151, %min3A_147 : vector<1024x1xf32>
    %max3A_153 = arith.maximumf %max3A_152, %min3A_148 : vector<1024x1xf32>
    %max3A_154 = arith.maximumf %max3A_153, %min3A_149 : vector<1024x1xf32>
    %max3A_155 = arith.maximumf %max3A_154, %min3A_150 : vector<1024x1xf32>
    %concatenate3A_156 = tpu.concatenate %max3A_123, %max3A_128, %max3A_135, %max3A_144, %max3A_155, %broadcast_in_dim3A_121, %broadcast_in_dim3A_121, %broadcast_in_dim3A_121 in 1 : vector<1024x1xf32>, vector<1024x1xf32>, vector<1024x1xf32>, vector<1024x1xf32>, vector<1024x1xf32>, vector<1024x1xf32>, vector<1024x1xf32>, vector<1024x1xf32> -> vector<1024x8xf32>
    %swap3A_157 = arith.constant 0 : index
    %swap3A_158 = arith.constant 0 : index
    %swap3A_159 = vector.load %arg7[%swap3A_157, %swap3A_158] : memref<1024x8xf32, #tpu.memory_space<vmem>>, vector<1024x8xf32>
    tpu.vector_store %arg7[%swap3A_157, %swap3A_158], %concatenate3A_156 {strides = array<i32>} : memref<1024x8xf32, #tpu.memory_space<vmem>>, vector<1024x8xf32>,
    %eq3A_160 = arith.constant 24 : i32
    %eq3A_161 = arith.cmpi eq, %arg0, %eq3A_160 : i32
    %convert_element_type3A_162 = arith.extui %eq3A_161 : i1 to i32
    %cond3A_163 = arith.constant 0 : i32
    %cond3A_164 = arith.cmpi ne, %convert_element_type3A_162, %cond3A_163 : i32
    scf.if %cond3A_164 {
      %get3A_165 = arith.constant 0 : index
      %get3A_166 = arith.constant 64 : index
      %get3A_167 = vector.load %arg9[%get3A_165, %get3A_166] : memref<1024x65xf32, #tpu.memory_space<vmem>>, vector<1024x1xf32>
      %neg3A = arith.constant 0.000000e+00 : f32
      %neg3A_168 = vector.broadcast %neg3A : f32 to vector<1024x1xf32>
      %neg3A_169 = arith.subf %neg3A_168, %get3A_167 : vector<1024x1xf32>
      %get3A_170 = arith.constant 0 : index
      %get3A_171 = arith.constant 0 : index
      %get3A_172 = vector.load %arg6[%get3A_170, %get3A_171] : memref<1024x1xf32, #tpu.memory_space<vmem>>, vector<1024x1xf32>
      %log3A = math.log %get3A_172 : vector<1024x1xf32>
      %add3A_173 = arith.addf %log3A, %neg3A_169 : vector<1024x1xf32>
      %get3A_174 = arith.constant 0 : index
      %get3A_175 = arith.constant 0 : index
      %get3A_176 = vector.load %arg8[%get3A_174, %get3A_175] : memref<1024x1xf32, #tpu.memory_space<vmem>>, vector<1024x1xf32>
      %add3A_177 = arith.addf %get3A_176, %neg3A_169 : vector<1024x1xf32>
      %get3A_178 = arith.constant 0 : index
      %get3A_179 = arith.constant 0 : index
      %get3A_180 = vector.load %arg7[%get3A_178, %get3A_179] : memref<1024x8xf32, #tpu.memory_space<vmem>>, vector<1024x8xf32>
      %slice3A = vector.extract_strided_slice %get3A_180 {offsets = [0, 0], sizes = [1024, 1], strides = [1, 1]} : vector<1024x8xf32> to vector<1024x1xf32>
      %slice3A_181 = vector.extract_strided_slice %get3A_180 {offsets = [0, 1], sizes = [1024, 1], strides = [1, 1]} : vector<1024x8xf32> to vector<1024x1xf32>
      %add3A_182 = arith.addf %slice3A, %slice3A_181 : vector<1024x1xf32>
      %slice3A_183 = vector.extract_strided_slice %get3A_180 {offsets = [0, 2], sizes = [1024, 1], strides = [1, 1]} : vector<1024x8xf32> to vector<1024x1xf32>
      %add3A_184 = arith.addf %add3A_182, %slice3A_183 : vector<1024x1xf32>
      %slice3A_185 = vector.extract_strided_slice %get3A_180 {offsets = [0, 3], sizes = [1024, 1], strides = [1, 1]} : vector<1024x8xf32> to vector<1024x1xf32>
      %add3A_186 = arith.addf %add3A_184, %slice3A_185 : vector<1024x1xf32>
      %slice3A_187 = vector.extract_strided_slice %get3A_180 {offsets = [0, 4], sizes = [1024, 1], strides = [1, 1]} : vector<1024x8xf32> to vector<1024x1xf32>
      %add3A_188 = arith.addf %add3A_186, %slice3A_187 : vector<1024x1xf32>
      %div3A_189 = arith.constant 5.000000e+00 : f32
      %div3A_190 = vector.broadcast %div3A_189 : f32 to vector<1024x1xf32>
      %div3A_191 = arith.divf %add3A_188, %div3A_190 : vector<1024x1xf32>
      %add3A_192 = arith.addf %div3A_191, %neg3A_169 : vector<1024x1xf32>
      %reduce_max3A_193 = arith.constant dense<0xFF800000> : vector<1xf32>
      %reduce_max3A_194 = vector.multi_reduction <maximumf>, %add3A_192, %reduce_max3A_193 [0] : vector<1024x1xf32> to vector<1xf32>
      %broadcast_in_dim3A_195 = vector.shape_cast %reduce_max3A_194 : vector<1xf32> to vector<1x1xf32>
      %sub3A = vector.broadcast %broadcast_in_dim3A_195 : vector<1x1xf32> to vector<1024x1xf32>
      %sub3A_196 = arith.subf %add3A_192, %sub3A : vector<1024x1xf32>
      %exp3A_197 = math.exp %sub3A_196 : vector<1024x1xf32>
      %reduce_sum3A_198 = arith.constant dense<0.000000e+00> : vector<1xf32>
      %reduce_sum3A_199 = vector.multi_reduction <add>, %exp3A_197, %reduce_sum3A_198 [0] : vector<1024x1xf32> to vector<1xf32>
      %broadcast_in_dim3A_200 = vector.shape_cast %reduce_sum3A_199 : vector<1xf32> to vector<1x1xf32>
      %div3A_201 = vector.broadcast %broadcast_in_dim3A_200 : vector<1x1xf32> to vector<1024x1xf32>
      %div3A_202 = arith.divf %exp3A_197, %div3A_201 : vector<1024x1xf32>
      %mul3A_203 = arith.constant 1.024000e+03 : f32
      %mul3A_204 = vector.broadcast %mul3A_203 : f32 to vector<1024x1xf32>
      %mul3A_205 = arith.mulf %div3A_202, %mul3A_204 : vector<1024x1xf32>
      %min3A_206 = arith.constant 5.000000e+00 : f32
      %min3A_207 = vector.broadcast %min3A_206 : f32 to vector<1024x1xf32>
      %min3A_208 = arith.minimumf %mul3A_205, %min3A_207 : vector<1024x1xf32>
      %sub3A_209 = arith.subf %add3A_173, %add3A_177 : vector<1024x1xf32>
      %mul3A_210 = arith.mulf %sub3A_209, %min3A_208 : vector<1024x1xf32>
      %reduce_sum3A_211 = arith.constant dense<0.000000e+00> : vector<1xf32>
      %reduce_sum3A_212 = vector.multi_reduction <add>, %mul3A_210, %reduce_sum3A_211 [0] : vector<1024x1xf32> to vector<1xf32>
      %broadcast_in_dim3A_213 = vector.shape_cast %reduce_sum3A_212 : vector<1xf32> to vector<1x1xf32>
      %div3A_214 = arith.constant 1.024000e+03 : f32
      %div3A_215 = vector.broadcast %div3A_214 : f32 to vector<1x1xf32>
      %div3A_216 = arith.divf %broadcast_in_dim3A_213, %div3A_215 : vector<1x1xf32>
      %swap3A_217 = arith.constant 0 : index
      %swap3A_218 = arith.constant 0 : index
      %swap3A_219 = vector.load %arg5[%swap3A_217, %swap3A_218] : memref<1x1xf32, #tpu.memory_space<vmem>>, vector<1x1xf32>
      tpu.vector_store %arg5[%swap3A_217, %swap3A_218], %div3A_216 {strides = array<i32>} : memref<1x1xf32, #tpu.memory_space<vmem>>, vector<1x1xf32>,
    } else {
    }
    return
  }
  func.func @transform_0(%arg0: i32) -> (i32, i32) {
    %c0_i32 = arith.constant 0 : i32
    %c0_i32_0 = arith.constant 0 : i32
    %c0_i32_1 = arith.constant 0 : i32
    return %c0_i32, %c0_i32_0 : i32, i32
  }
  func.func @transform_1(%arg0: i32) -> (i32, i32) {
    %c0_i32 = arith.constant 0 : i32
    %c0_i32_0 = arith.constant 0 : i32
    %c0_i32_1 = arith.constant 0 : i32
    return %c0_i32, %c0_i32_0 : i32, i32
  }
  func.func @transform_2(%arg0: i32) -> (i32, i32) {
    %c0_i32 = arith.constant 0 : i32
    %c0_i32_0 = arith.constant 0 : i32
    %c0_i32_1 = arith.constant 0 : i32
    return %c0_i32, %c0_i32_0 : i32, i32
  }
  func.func @transform_3(%arg0: i32) -> (i32, i32) {
    %c0_i32 = arith.constant 0 : i32
    %c0_i32_0 = arith.constant 0 : i32
    return %arg0, %c0_i32 : i32, i32
  }
  func.func @transform_4(%arg0: i32) -> (i32, i32) {
    %c0_i32 = arith.constant 0 : i32
    %c0_i32_0 = arith.constant 0 : i32
    %c0_i32_1 = arith.constant 0 : i32
    return %c0_i32, %c0_i32_0 : i32, i32
  }
}

</mosaic_0001>

<sc_bundles>
// kernel: kernel.4.cloned.1.call-start
scs
__scs_entry_jumppad:
0x0: {  	(pc) =	sbr.rel $0x88, $3  }
0x1: {  	(tag) =	ssettag $0x0;
	lr =	simm.s32 $0x1  }
0x2: {  	[smem:$0x3F9D] =	sst lr;
	_ =	strace $0xD0000000  }
0x3: {  	_ = 	snop  }
0x4: {  	_ = 	snop  }
0x5: {  	_ = 	snop  }
0x6: {  	_ = 	snop  }
0x7: {  	_ = 	snop  }
__scs_overlays_trampoline_lowered:
0x8: {  	[smem:$0x3FAC] =	sst s0  }
0x9: {  	[smem:$0x3FAD] =	sst s1  }
0xa: {  	[smem:$0x3FAE] =	sst s2  }
0xb: {  	[smem:$0x3FAF] =	sst s3  }
0xc: {  	[smem:$0x3FB0] =	sst s4  }
0xd: {  	[smem:$0x3FB1] =	sst s5  }
0xe: {  	[smem:$0x3FB2] =	sst s6  }
0xf: {  	[smem:$0x3FB3] =	sst s7  }
0x10: {  	[smem:$0x3FB4] =	sst s8  }
0x11: {  	[smem:$0x3FB5] =	sst s9;
	s0 =	simm.s32 @!p0 $0x0  }
0x12: {  	s1 =	sld [smem:$0x3F9B];
	s0 =	simm.s32 @p0 $0x1  }
0x13: {  	[smem:$0x3FB6] =	sst s0;
	s0 =	simm.s32 @!p1 $0x0  }
0x14: {  	s2 =	sld [smem:$0x3F9A];
	s0 =	simm.s32 @p1 $0x1  }
0x15: {  	[smem:$0x3FB7] =	sst s0;
	s0 =	simm.s32 @!p2 $0x0  }
0x16: {  	s3 =	sld [smem:$0x3FDB];
	s0 =	simm.s32 @p2 $0x1  }
0x17: {  	s4 =	simm.s32 $0x1BF5;
	[smem:$0x3FB9] =	sst s0  }
0x18: {  	s0 =	sld [smem:$0x3F9C];
	_ =	swait.ge [sflag:s4], $0x0  }
0x19: {  	s7 =	sld [smem:$0x3F9D]  }
0x1a: {  	s8 =	sadd.s32 $0xFFFFE003, lr  }
0x1b: {  	s9 =	sadd.s32 $0xFFFFFEF7, lr;
	s5 =	simm.s32 $0xFFFFFFFF;
	p2 =	slt.u32 s8, $0xFFFFF086  }
0x1c: {  	p1 =	slt.u32 s9, $0xF7A;
	s5 =	simm.s32 @!p2 $0x0  }
0x1d: {  	s5 =	simm.s32 @p1 $0x1;
	p0 =	seq.s32 s7, s2  }
0x1e: {  	s7 =	smul.u32 @!p0 $0xF7A, s2;
	p2 =	seq.s32 @!p0 s5, $0x0  }
0x1f: {  	s9 =	smul.u32 $0xF7A, s1;
	s8 =	simm.s32 @!p0 $0x1BF5;
	p2 =	por !p2, p0  }
0x20: {  	[sflag:s8] =	ssyncset.s32 @!p0 $0xFFFFF086;
	s6 =	sadd.s32 @!p0 s3, s7;
	s7 =	simm.s32 @!p0 $0x108  }
0x21: {  	s3 =	sadd.s32 s3, s9;
	s6 =	sadd.s32 @!p0 $0x88, s6;
	s7 =	simm.s32 @p2 $0x1082  }
0x22: {  	[simem:s7], [sflag:s8] =	dma.local @!p0 [hbm:s6], $0xF7A  }
0x23: {  	s9 =	sor.u32 $0xD0000000, s2;
	s6 =	simm.s32 $0x108;
	_ =	swait.ge @!p0 [sflag:s8], $0x0  }
0x24: {  	s3 =	sadd.s32 $0x88, s3;
	s6 =	simm.s32 @!p1 $0x1082;
	[sflag:s4] =	ssyncset.s32 $0xFFFFF086  }
0x25: {  	[simem:s6], [sflag:s4] =	dma.local [hbm:s3], $0xF7A  }
0x26: {  	[smem:$0x3F9D] =	sst s1;
	(tag) =	ssettag s2;
	_ =	strace s9  }
0x27: {  	s1 =	sld [smem:$0x3FAD]  }
0x28: {  	s2 =	sld [smem:$0x3FAE]  }
0x29: {  	s4 =	sld [smem:$0x3FB0]  }
0x2a: {  	p0 =	seq.s32 s5, $0x0;
	s5 =	sld [smem:$0x3FB1]  }
0x2b: {  	s6 =	sld [smem:$0x3FB2]  }
0x2c: {  	s7 =	sld [smem:$0x3FB3]  }
0x2d: {  	s3 =	simm.s32 $0x108;
	s8 =	sld [smem:$0x3FB4]  }
0x2e: {  	s3 =	simm.s32 @!p0 $0x1082;
	s9 =	sld [smem:$0x3FB5]  }
0x2f: {  	lr =	sadd.s32 s0, s3;
	s0 =	sld [smem:$0x3FAC]  }
0x30: {  	s3 =	sld [smem:$0x3FAF]  }
0x31: {  	[smem:$0x3FB8] =	sst s10  }
0x32: {  	s10 =	sld [smem:$0x3FB6];
	_ =	sdelay $0x3  }
0x33: {  	p0 =	seq.s32 s10, $0x1;
	s10 =	sld [smem:$0x3FB8];
	_ =	sdelay $0x3  }
0x34: {  	[smem:$0x3FB8] =	sst s10  }
0x35: {  	s10 =	sld [smem:$0x3FB7];
	_ =	sdelay $0x3  }
0x36: {  	p1 =	seq.s32 s10, $0x1;
	s10 =	sld [smem:$0x3FB8];
	_ =	sdelay $0x3  }
0x37: {  	[smem:$0x3FB8] =	sst s10  }
0x38: {  	s10 =	sld [smem:$0x3FB9]  }
0x39: {  	_ = 	snop;
	(pc) =	sbr.ind lr, $3  }
0x3a: {  	_ = 	snop  }
0x3b: {  	_ = 	snop  }
0x3c: {  	p2 =	seq.s32 s10, $0x1;
	s10 =	sld [smem:$0x3FB8]  }
0x3d: {  	_ =	shalt  }
0x3e: {  	_ =	shalt  }
0x3f: {  	_ =	shalt  }
0x40: {  	_ =	shalt  }
0x41: {  	_ =	shalt  }
0x42: {  	_ =	shalt  }
0x43: {  	_ =	shalt  }
0x44: {  	_ =	shalt  }
0x45: {  	_ =	shalt  }
0x46: {  	_ =	shalt  }
0x47: {  	_ =	shalt  }
0x48: {  	_ =	shalt  }
0x49: {  	_ =	shalt  }
0x4a: {  	_ =	shalt  }
0x4b: {  	_ =	shalt  }
0x4c: {  	_ =	shalt  }
0x4d: {  	_ =	shalt  }
0x4e: {  	_ =	shalt  }
0x4f: {  	_ =	shalt  }
0x50: {  	_ =	shalt  }
0x51: {  	_ =	shalt  }
0x52: {  	_ =	shalt  }
0x53: {  	_ =	shalt  }
0x54: {  	_ =	shalt  }
0x55: {  	_ =	shalt  }
0x56: {  	_ =	shalt  }
0x57: {  	_ =	shalt  }
0x58: {  	_ =	shalt  }
0x59: {  	_ =	shalt  }
0x5a: {  	_ =	shalt  }
0x5b: {  	_ =	shalt  }
0x5c: {  	_ =	shalt  }
0x5d: {  	_ =	shalt  }
0x5e: {  	_ =	shalt  }
0x5f: {  	_ =	shalt  }
0x60: {  	_ =	shalt  }
0x61: {  	_ =	shalt  }
0x62: {  	_ =	shalt  }
0x63: {  	_ =	shalt  }
0x64: {  	_ =	shalt  }
0x65: {  	_ =	shalt  }
0x66: {  	_ =	shalt  }
0x67: {  	_ =	shalt  }
0x68: {  	_ =	shalt  }
0x69: {  	_ =	shalt  }
0x6a: {  	_ =	shalt  }
0x6b: {  	_ =	shalt  }
0x6c: {  	_ =	shalt  }
0x6d: {  	_ =	shalt  }
0x6e: {  	_ =	shalt  }
0x6f: {  	_ =	shalt  }
0x70: {  	_ =	shalt  }
0x71: {  	_ =	shalt  }
0x72: {  	_ =	shalt  }
0x73: {  	_ =	shalt  }
0x74: {  	_ =	shalt  }
0x75: {  	_ =	shalt  }
0x76: {  	_ =	shalt  }
0x77: {  	_ =	shalt  }
0x78: {  	_ =	shalt  }
0x79: {  	_ =	shalt  }
0x7a: {  	_ =	shalt  }
0x7b: {  	_ =	shalt  }
0x7c: {  	_ =	shalt  }
0x7d: {  	_ =	shalt  }
0x7e: {  	_ =	shalt  }
0x7f: {  	_ =	shalt  }
0x80: {  	_ =	shalt  }
0x81: {  	_ =	shalt  }
0x82: {  	_ =	shalt  }
0x83: {  	_ =	shalt  }
0x84: {  	_ =	shalt  }
0x85: {  	_ =	shalt  }
0x86: {  	_ =	shalt  }
0x87: {  	_ =	shalt  }
.Lfunc_end0:
.L_simem_size_0:
called_computation_lowered:
.L_overlay_start_0:
0x88: {  	s2 =	sld [smem:$0x3FD9]  }
0x89: {  	s3 =	sld [smem:$0x3FFE];
	_ =	sdelay $0x1  }
0x8a: {  	s1 =	srdreg.scid  }
0x8b: {  	s0 =	sand.u32 $0x1, s1  }
0x8c: {  	s17 =	sshll.u32 s0, $0xA;
	s2 =	sadd.s32 s3, s2  }
0x8d: {  	s2 =	sadd.s32 s2, s17  }
0x8e: {  	[smem:$0x3FC4] =	sst s2  }
0x8f: {  	_ = 	snop  }
0x90: {  	s2 =	sld [smem:$0x3FC8]  }
0x91: {  	s18 =	sld [smem:$0x3FC6];
	(tm) =	ssettm $0x1  }
0x92: {  	s4 =	sld [smem:$0x3FFB];
	_ =	sdelay $0x3  }
0x93: {  	_ =	strace s4  }
0x94: {  	s4 =	sld [smem:$0x3FFC];
	_ =	sdelay $0x3  }
0x95: {  	_ =	strace s4  }
0x96: {  	s4 =	sld [smem:$0x3FFD];
	_ =	sdelay $0x3  }
0x97: {  	_ =	strace s4  }
0x98: {  	_ =	strace $0x8FFFFFFF  }
0x99: {  	s19 =	sld [smem:$0x3FDB];
	_ =	sdelay $0x1  }
0x9a: {  	s5 =	simm.s32 $_scs_section_size  }
0x9b: {  	s6 =	simm.s32 $_size__tile_overlayer_lowered;
	s7 =	simm.s32 $_tile_overlayer_lowered  }
0x9c: {  	s22 =	simm.s32 $0x1BFF;
	s21 =	sshll.u32 s7, $0x1;
	s4 =	sadd.s32 s5, s19  }
0x9d: {  	s8 =	simm.s32 $0x0;
	s20 =	sshll.u32 s6, $0x1;
	s6 =	sadd.s32 s21, s4  }
0x9e: {  	[timem:s8], [sflag:s22] =	dma.local [hbm:s6], s20  }
0x9f: {  	_ =	swait.ge [sflag:s22], s20  }
0xa0: {  	s5 =	ssub.s32 $0x0, s20;
	[sflag:s22] =	ssyncset.done $0x0  }
0xa1: {  	[sflag:s22] =	ssyncadd.s32 s5;
	_ =	sdelay $0x1  }
0xa2: {  	s23 =	simm.s32 $0x1B8B  }
0xa3: {  	_ =	swait.ge [sflag:s23], $0x1  }
0xa4: {  	[sflag:s23] =	ssyncset.done $0x0  }
0xa5: {  	s25 =	simm.s32 $0x1B8E;
	s24 =	sld [smem:$0x3FFE];
	[sflag:s23] =	ssyncadd.s32 $0xFFFFFFFF  }
0xa6: {  	s26 =	simm.s32 $execute0_lowered;
	[smem:$0x3FD2] =	sst s25  }
0xa7: {  	s6 =	sshll.u32 s26, $0x1;
	_ =	strace $0x80000046;
	[dreg:$0x1] =	wrdreg $0xFFFFFFFF  }
0xa8: {  	s28 =	simm.s32 $_size_execute0_lowered;
	s4 =	sadd.s32 s4, s6;
	[dreg:$0x0] =	wrdreg $0x0  }
0xa9: {  	s6 =	sshll.u32 s28, $0x1;
	[dreg:$0x2] =	wrdreg s4  }
0xaa: {  	[dreg:$0x3] =	wrdreg s6  }
0xab: {  	[dreg:$0x4] =	wrdreg $0xC0  }
0xac: {  	_ =	task [dreg:s8], $0x5FFFF  }
0xad: {  	[dreg:$0x1] =	wrdreg $0xFFFFFFFF  }
0xae: {  	[dreg:$0x0] =	wrdreg $0x60  }
0xaf: {  	[dreg:$0x2] =	wrdreg s18  }
0xb0: {  	[dreg:$0x3] =	wrdreg s2  }
0xb1: {  	[dreg:$0x4] =	wrdreg s24  }
0xb2: {  	[dreg:$0x5] =	wrdreg $0x9  }
0xb3: {  	_ =	task.clear_ibuf [dreg:s8], $0x6FFFF;
	_ =	strace $0x90000046  }
0xb4: {  	s29 =	simm.s32 $0x9;
	_ =	strace $0x80000048  }
0xb5: {  	_ =	swait.ge [sflag:s29], $0x1  }
0xb6: {  	[sflag:s29] =	ssyncadd.s32 $0xFFFFFFFF  }
0xb7: {  	_ =	strace $0x90000048  }
0xb8: {  	_ =	sfence  }
0xb9: {  	s30 =	sld [smem:$0x0];
	_ =	sdelay $0x2  }
0xba: {  	s31 =	sshll.u32 s1, $0xD;
	s1 =	sshrl.u32 s1, $0x2  }
0xbb: {  	s3 =	sand.u32 $0x4000, s31;
	s1 =	sadd.s32 s1, s30  }
0xbc: {  	s0 =	sor.u32 s3, s0;
	s1 =	sshll.u32 s1, $0x11  }
0xbd: {  	s0 =	sor.u32 s1, s0  }
0xbe: {  	s0 =	sadd.s32 $0x8F2B, s0  }
0xbf: {  	[sflag:s0] =	ssyncadd.remote.s32 $0x1  }
0xc0: {  	_ =	sfence.sel $0xFFFF  }
0xc1: {  	[dreg:$0x0] =	wrdreg $0xFFFFFFFF;
	(pc) =	sbr.abs _section_cstart, $3  }
0xc2: {  	[dreg:$0x1] =	wrdreg $0xFFFFFFFF  }
0xc3: {  	_ =	task.clear_ibuf [dreg:s8], $0x2FFFF;
	_ =	strace $0x9FFFFFFF  }
0xc4: {  	(tm) =	ssettm $0x7FFFFFFF  }
0xc5: {  	_ =	shalt  }
tec
execute0_lowered:
.L_overlay_start_1:
0x0: {  	(tag) =	ssettag $0x1  }
0x1: {  	s2 =	rddreg [dreg:$0x0]  }
0x2: {  	s4 =	rddreg [dreg:$0x1]  }
0x3: {  	s9 =	rddreg [dreg:$0x2]  }
0x4: {  	s3 =	srdreg.scid;
	s0 =	rddreg [dreg:$0x3]  }
0x5: {  	s1 =	stileid.u32;
	s8 =	simm.s32 $0x1;
	s6 =	sand.u32 $0x1, s3  }
0x6: {  	s3 =	simm.s32 $0x0;
	s5 =	sshll.u32 s1, $0x3;
	s7 =	sshll.u32 s6, $0x2  }
0x7: {  	[smem:$0x7FF] =	sst s3;
	s11 =	ssub.s32 $0x2, s6;
	s10 =	sor.u32 s7, s5  }
0x8: {  	_ =	strace $0x80000047;
	s5 =	sadd.s32 s4, s10;
	s4 =	simm.s32 $0x2  }
0x9: {  	[tilespmem:s3], [sflag:$0x2] =	stream.linear.gather [hbm4b:s5+s3], $0x20, $0x38;
	[tilespmem:$0x100] =	vst v63  }
0xa: {  	s6 =	simm.s32 $0x20;
	s12 =	sshrl.u32 s11, $0x1;
	_ =	swait.ge [sflag:s4], $0x20  }
0xb: {  	s7 =	simm.s32 $0x80;
	s31 =	ssub.s32 s11, s12;
	[sflag:s4] =	ssyncset.done $0x0  }
0xc: {  	s9 =	sadd.s32 s10, s9;
	s10 =	smax.u32 s31, $0x1;
	[sflag:s4] =	ssyncadd.s32 $0xFFFFFFE0  }
0xd: {  	[tilespmem:s7], [sflag:$0x1] =	stream.indirect.gather [hbm4b:s2+s6], $0x1, s3, s6, $0xb8;
	[tilespmem:$0x100] =	vst v63  }
0xe: {  	p0 =	sne.s32 s10, $0x1;
	_ =	swait.ge [sflag:s8], $0x20  }
.Ltmp0:
0xf: {  	[sflag:s8] =	ssyncset.done $0x0;
	(pc) =	sbr.rel @!p0 .LBB2_2-.Ltmp0, $4  }
0x10: {  	s9 =	sadd.s32 $0x400, s9;
	[sflag:s8] =	ssyncadd.s32 $0xFFFFFFE0  }
0x11: {  	[hbm4b:s9+s3] =	stream.linear.scatter [tilespmem:s7], [sflag:$0x2], $0x20, $0x38;
	[tilespmem:$0x100] =	vst v63  }
0x12: {  	_ =	swait.ge [sflag:s4], $0x20  }
0x13: {  	s10 =	sadd.s32 $0xFFFFFFFF, s10;
	[sflag:s4] =	ssyncset.done $0x0  }
.LBB2_1:
0x14: {  	p0 =	sne.s32 s10, $0x1;
	s10 =	sadd.s32 $0xFFFFFFFF, s10;
	[sflag:s4] =	ssyncadd.s32 $0xFFFFFFE0  }
0x15: {  	[tilespmem:s3], [sflag:$0x2] =	stream.linear.gather [hbm4b:s5+s3], $0x20, $0x38;
	[tilespmem:$0x100] =	vst v63  }
0x16: {  	_ =	swait.ge [sflag:s4], $0x20  }
0x17: {  	[sflag:s4] =	ssyncset.done $0x0  }
0x18: {  	[sflag:s4] =	ssyncadd.s32 $0xFFFFFFE0  }
0x19: {  	[tilespmem:s7], [sflag:$0x1] =	stream.indirect.gather [hbm4b:s2+s6], $0x1, s3, s6, $0xb8;
	[tilespmem:$0x100] =	vst v63  }
0x1a: {  	_ =	swait.ge [sflag:s8], $0x20  }
.Ltmp1:
0x1b: {  	[sflag:s8] =	ssyncset.done $0x0;
	(pc) =	sbr.rel @p0 .LBB2_1-.Ltmp1, $4  }
0x1c: {  	[sflag:s8] =	ssyncadd.s32 $0xFFFFFFE0  }
0x1d: {  	[hbm4b:s9+s3] =	stream.linear.scatter [tilespmem:s7], [sflag:$0x2], $0x20, $0x38;
	[tilespmem:$0x100] =	vst v63  }
0x1e: {  	_ =	swait.ge [sflag:s4], $0x20  }
0x1f: {  	[sflag:s4] =	ssyncset.done $0x0  }
.LBB2_2:
0x20: {  	[sflag:s4] =	ssyncadd.s32 $0xFFFFFFE0  }
0x21: {  	_ =	sfence.sel $0x180000  }
0x22: {  	[bflag:$0x0] =	sbarrier.arrive $0xFFFF  }
0x23: {  	p0 =	sne.s32 s1, $0x0;
	_ =	strace $0x90000047  }
0x24: {  	s0 =	sadd.s32 @!p0 $0x100000, s0;
	[bflag:$0x2] =	sbarrier.arrive $0xFFFF  }
0x25: {  	[sflag:s0] =	ssyncadd.tile.s32 @!p0 $0x1;
	_ =	shalt  }
.Lfunc_end2:
_tile_overlayer_lowered:
.L_overlay_start_2:
0x26: {  	(tag) =	ssettag $0x2  }
0x27: {  	s0 =	rddreg [dreg:$0x0];
	s2 =	stileid.u32  }
0x28: {  	s1 =	rddreg [dreg:$0x1];
	p0 =	sne.s32 s2, $0x0  }
0x29: {  	s3 =	rddreg [dreg:$0x2];
	[bflag:$0x3] =	sbarrier.arrive $0xFFFF;
	s2 =	simm.s32 @!p0 $0x1C02  }
0x2a: {  	[timem:s3], [sflag:s2] =	dma.local @!p0 [hbm:s0], s1  }
0x2b: {  	s0 =	simm.s32 @!p0 $0x2  }
0x2c: {  	_ =	swait.ge @!p0 [sflag:s0], s1  }
0x2d: {  	s1 =	ssub.s32 @!p0 $0x0, s1;
	[sflag:s0] =	ssyncset.done @!p0 $0x0  }
0x2e: {  	[sflag:s0] =	ssyncadd.s32 @!p0 s1  }
0x2f: {  	[bflag:$0x3] =	sbarrier.arrive $0xFFFF  }
0x30: {  	_ =	shalt  }

</sc_bundles>
